<compile_context>
chip_gen: v7x
topology: tpu7x:2x2x1
jax: 0.10.2.dev20260603
libtpu: 0.0.44.dev20260713+nightly
codegen_flags: <defaults>
</compile_context>

<pallas_src>
import functools
import numpy as np
import jax
import jax.numpy as jnp
from jax import lax
from jax.experimental import pallas as pl
from jax.experimental.pallas import tpu as pltpu
from jax.experimental.pallas import tpu_sc as plsc

_T = 512
_L_IN = 543
_NF = 15
_D = 252

_LIPS = [61, 185, 40, 39, 37, 0, 267, 269, 270, 409, 291, 146, 91, 181, 84,
         17, 314, 405, 321, 375, 78, 191, 80, 81, 82, 13, 312, 311, 310, 415,
         95, 88, 178, 87, 14, 317, 402, 318, 324, 308]
_POINT = _LIPS + list(range(468, 489)) + list(range(522, 543))


def _build_idx():
    idx = np.zeros((3, 88), np.int32)
    for c in range(3):
        idx[c, 0:82] = np.array(_POINT, np.int32)
        idx[c, 82:] = 0
    return idx


def _build_p():
    P = np.zeros((8, _L_IN), np.float32)
    P[0, 0:468] = 1.0 / 468.0
    P[1, 489:522] = 1.0 / 33.0
    return P


def _build_swt():
    S = np.zeros((6, _T), np.float32)
    orig = [0] + list(range(_T)) + [_T - 1, _T - 1]
    for i in range(5):
        for k in orig[i * 103:(i + 1) * 103]:
            S[i, k] += 1.0 / 103.0
    S[5, :] = 1.0 / _T

    scale = _NF / _T
    inv = 1.0 / scale
    sample_f = (np.arange(_NF) + 0.5) * inv - 0.5
    x = np.abs(sample_f[np.newaxis, :] - np.arange(_T)[:, np.newaxis]) / inv
    w = np.maximum(0.0, 1.0 - x)
    total = w.sum(axis=0, keepdims=True)
    w = np.where(np.abs(total) > 1000 * np.finfo(np.float32).eps, w / total, 0)
    w = np.where(((sample_f >= -0.5) & (sample_f <= _T - 0.5))[np.newaxis, :],
                 w, 0)
    W = np.ascontiguousarray(w.T.astype(np.float32))
    return np.ascontiguousarray(np.concatenate([S, W], axis=0).T)


def _build_e():
    E = np.zeros((3, 84, _D), np.float32)
    for c in range(3):
        for l in range(84):
            E[c, l, 3 * l + c] = 1.0
    return E


_IDX_NP = _build_idx()
_P_NP = _build_p()
_SWT_NP = _build_swt()
_E_NP = _build_e()


def _sc_gather_body(x_hbm, idx_hbm, out_hbm, idx_v, rows_v, sem):
    nc = 2
    wid = lax.axis_index("s") * nc + lax.axis_index("c")

    def do_chunk(k):
        c = k // 11
        j = k % 11
        pltpu.sync_copy(idx_hbm.at[c, pl.ds(j * 8, 8)], idx_v)
        pltpu.async_copy(x_hbm.at[c].at[idx_v], rows_v, sem).wait()
        pltpu.sync_copy(rows_v, out_hbm.at[c, pl.ds(j * 8, 8)])

    do_chunk(wid)

    @pl.when(wid == 0)
    def _():
        do_chunk(32)


def _tc_body(x_ref, g_ref, p_ref, swt_ref, e_ref, out_ref, acc_ref, acc2_ref):
    c = pl.program_id(0)
    xc = x_ref[0]
    y = jnp.dot(p_ref[...], xc,
                preferred_element_type=jnp.float32)
    x84 = jnp.concatenate([y[0:2], g_ref[0][0:82]], axis=0)
    stats = jnp.dot(x84, swt_ref[...],
                    preferred_element_type=jnp.float32)
    sq = jnp.dot(x84 * x84, swt_ref[:, 0:6],
                 preferred_element_type=jnp.float32)
    dn = (((0,), (0,)), ((), ()))
    ec = e_ref[0]
    contrib = lax.dot_general(stats, ec, dn,
                              preferred_element_type=jnp.float32)
    contrib2 = lax.dot_general(sq, ec, dn,
                               preferred_element_type=jnp.float32)

    @pl.when(c == 0)
    def _():
        acc_ref[...] = contrib
        acc2_ref[...] = contrib2

    @pl.when(c > 0)
    def _():
        acc_ref[...] += contrib
        acc2_ref[...] += contrib2

    @pl.when(c == 2)
    def _():
        m = acc_ref[0:6, :]
        std = jnp.sqrt(jnp.maximum(acc2_ref[...] - m * m, 0.0))
        res = acc_ref[6:21, :]
        for i in range(6):
            out_ref[0:1, i * 504:i * 504 + _D] = m[i:i + 1, :]
            out_ref[0:1, i * 504 + _D:(i + 1) * 504] = std[i:i + 1, :]
        for t in range(_NF):
            out_ref[0:1, 3024 + t * _D:3024 + (t + 1) * _D] = res[t:t + 1, :]


def kernel(x_in):
    xt = jnp.transpose(x_in, (2, 1, 0))

    mesh = plsc.VectorSubcoreMesh(core_axis_name="c", subcore_axis_name="s")
    gathered = pl.kernel(
        _sc_gather_body,
        mesh=mesh,
        out_type=jax.ShapeDtypeStruct((3, 88, _T), jnp.float32),
        scratch_types=[
            pltpu.VMEM((8,), jnp.int32),
            pltpu.VMEM((8, _T), jnp.float32),
            pltpu.SemaphoreType.DMA,
        ],
    )(xt, jnp.asarray(_IDX_NP))

    return pl.pallas_call(
        _tc_body,
        grid=(3,),
        in_specs=[
            pl.BlockSpec((1, _L_IN, _T), lambda i: (i, 0, 0)),
            pl.BlockSpec((1, 88, _T), lambda i: (i, 0, 0)),
            pl.BlockSpec((8, _L_IN), lambda i: (0, 0)),
            pl.BlockSpec((_T, 21), lambda i: (0, 0)),
            pl.BlockSpec((1, 84, _D), lambda i: (i, 0, 0)),
        ],
        out_specs=pl.BlockSpec((1, 6804), lambda i: (0, 0)),
        out_shape=jax.ShapeDtypeStruct((1, 6804), jnp.float32),
        scratch_shapes=[
            pltpu.VMEM((21, _D), jnp.float32),
            pltpu.VMEM((6, _D), jnp.float32),
        ],
    )(xt, gathered, jnp.asarray(_P_NP), jnp.asarray(_SWT_NP),
      jnp.asarray(_E_NP))

# --- scband reference (transcript-rebuilt; emitter-appended) ---
"""Pipeline reference for scband-ontheshoulder-gen-65841848648053 (READ-ONLY COPY).

The authoritative reference and input builder live on the scoring server;
editing this copy changes nothing except your own understanding.
"""

import jax, jax.numpy as jnp
import numpy as np

DROP_Z = False
NUM_FRAMES = 15
SEGMENTS = 5
LEFT_HAND_OFFSET = 468
POSE_OFFSET = LEFT_HAND_OFFSET + 21
RIGHT_HAND_OFFSET = POSE_OFFSET + 33
averaging_sets = [[0, 468], [POSE_OFFSET, 33]]
lip_landmarks = [61, 185, 40, 39, 37, 0, 267, 269, 270, 409, 291, 146, 91, 181, 84, 17, 314, 405, 321, 375, 78, 191, 80, 81, 82, 13, 312, 311, 310, 415, 95, 88, 178, 87, 14, 317, 402, 318, 324, 308]
left_hand_landmarks = list(range(LEFT_HAND_OFFSET, LEFT_HAND_OFFSET + 21))
right_hand_landmarks = list(range(RIGHT_HAND_OFFSET, RIGHT_HAND_OFFSET + 21))
point_landmarks = lip_landmarks + left_hand_landmarks + right_hand_landmarks
LANDMARKS = len(point_landmarks) + len(averaging_sets)  # 84
INPUT_SHAPE = (NUM_FRAMES, LANDMARKS * 3)


def nan_mean(x, axis=0):
    m = jnp.isnan(x)
    num = jnp.sum(jnp.where(m, jnp.zeros_like(x), x), axis=axis)
    den = jnp.sum(jnp.where(m, jnp.zeros_like(x), jnp.ones_like(x)), axis=axis)
    return num / den


def nan_std(x, axis=0):
    d = x - nan_mean(x, axis=axis)
    return jnp.sqrt(nan_mean(d * d, axis=axis))


def flatten_means_and_stds(x):
    x_mean = nan_mean(x, axis=0)
    x_std = nan_std(x, axis=0)
    out = jnp.concatenate([x_mean, x_std], axis=0)
    out = out.reshape(1, INPUT_SHAPE[1] * 2)
    return jnp.where(jnp.isfinite(out), out, jnp.zeros_like(out))


def setup_inputs(seed: int = 0) -> dict:
    key = jax.random.key(seed)
    x_in = jax.random.normal(key, (512, 543, 3), dtype=jnp.float32)
    return {"x_in": x_in}


def reference(x_in):
    pl = jnp.array(point_landmarks, dtype=jnp.int32)
    x_list = [jnp.expand_dims(nan_mean(x_in[:, s:s + c, :], axis=1), axis=1) for s, c in averaging_sets]
    x_list.append(jnp.take(x_in, pl, axis=1))
    x = jnp.concatenate(x_list, axis=1)  # [T, 84, 3]

    x_padded = x
    for i in range(SEGMENTS):
        Tp = x_padded.shape[0]
        p0 = 1 if (Tp % SEGMENTS > 0) and (i % 2 != 0) else 0
        p1 = 1 if (Tp % SEGMENTS > 0) and (i % 2 == 0) else 0
        if p0 or p1:
            x_padded = jnp.pad(x_padded, ((p0, p1), (0, 0), (0, 0)), mode='symmetric')

    segs = jnp.split(x_padded, SEGMENTS, axis=0)
    feats = [flatten_means_and_stds(s) for s in segs]
    feats.append(flatten_means_and_stds(x))

    x_fill = jnp.where(jnp.isfinite(x), x, jnp.broadcast_to(nan_mean(x, axis=0), x.shape))
    x_res = jax.image.resize(x_fill, (NUM_FRAMES, LANDMARKS, 3), method='bilinear')
    x_res = x_res.reshape(1, INPUT_SHAPE[0] * INPUT_SHAPE[1])
    x_res = jnp.where(jnp.isnan(x_res), jnp.zeros_like(x_res), x_res)
    feats.append(x_res)

    return jnp.concatenate(feats, axis=1)  # [1, 6804]

if __name__ == "__main__":
    import jax
    _d = setup_inputs()
    print(jax.jit(kernel)(*tuple(_d.values())))

</pallas_src>

<mosaic_0001>
#map = affine_map<(d0, d1) -> (0, 0, 0)>
#map1 = affine_map<(d0, d1) -> (0, 0)>
module attributes {stable_mosaic.version = 14 : i64} {
  func.func @_sc_gather_body(%arg0: i32, %arg1: i32, %arg2: memref<3x543x512xf32, #tpu.memory_space<hbm>>, %arg3: memref<3x88xi32, #tpu.memory_space<hbm>>, %arg4: memref<3x88x512xf32, #tpu.memory_space<hbm>>, %arg5: memref<8xi32, #tpu.memory_space<vmem>>, %arg6: memref<8x512xf32, #tpu.memory_space<vmem>>, %arg7: memref<!tpu.dma_semaphore, #tpu.memory_space<semaphore_mem>>) attributes {dimension_semantics = [#tpu.dimension_semantics<core_parallel>, #tpu.dimension_semantics<subcore_parallel>], iteration_bounds = array<i64: 2, 16>, scalar_prefetch = 0 : i64, scratch_operands = 3 : i64, tpu.core_type = #tpu.core_type<sc_vector_subcore>, window_params = [{transform_indices = #map}, {transform_indices = #map1}, {transform_indices = #map}]} {
    %mul3A = arith.constant 2 : i32
    %mul3A_0 = arith.muli %arg1, %mul3A : i32
    %add3A = arith.addi %mul3A_0, %arg0 : i32
    %jit3A = arith.constant 11 : i32
    %div3A = arith.divsi %add3A, %jit3A : i32
    %sign3A = arith.constant 0 : i32
    %sign3A_1 = arith.cmpi sgt, %add3A, %sign3A : i32
    %sign3A_2 = arith.extui %sign3A_1 : i1 to i32
    %sign3A_3 = arith.constant 0 : i32
    %sign3A_4 = arith.cmpi slt, %add3A, %sign3A_3 : i32
    %sign3A_5 = arith.extui %sign3A_4 : i1 to i32
    %sign3A_6 = arith.subi %sign3A_2, %sign3A_5 : i32
    %sign3A_7 = arith.constant 0 : i32
    %sign3A_8 = arith.cmpi sgt, %jit3A, %sign3A_7 : i32
    %sign3A_9 = arith.extui %sign3A_8 : i1 to i32
    %sign3A_10 = arith.constant 0 : i32
    %sign3A_11 = arith.cmpi slt, %jit3A, %sign3A_10 : i32
    %sign3A_12 = arith.extui %sign3A_11 : i1 to i32
    %sign3A_13 = arith.subi %sign3A_9, %sign3A_12 : i32
    %ne3A = arith.cmpi ne, %sign3A_6, %sign3A_13 : i32
    %rem3A = arith.remsi %add3A, %jit3A : i32
    %ne3A_14 = arith.constant 0 : i32
    %ne3A_15 = arith.cmpi ne, %rem3A, %ne3A_14 : i32
    %and3A = arith.andi %ne3A, %ne3A_15 : i1
    %sub3A = arith.constant 1 : i32
    %sub3A_16 = arith.subi %div3A, %sub3A : i32
    %select_n3A = arith.select %and3A, %sub3A_16, %div3A : i32
    %jit3A_17 = arith.constant 11 : i32
    %eq3A = arith.constant 0 : i32
    %eq3A_18 = arith.cmpi eq, %jit3A_17, %eq3A : i32
    %jit3A_19 = arith.constant 1 : i32
    %select_n3A_20 = arith.select %eq3A_18, %jit3A_19, %jit3A_17 : i32
    %rem3A_21 = arith.remsi %add3A, %select_n3A_20 : i32
    %ne3A_22 = arith.constant 0 : i32
    %ne3A_23 = arith.cmpi ne, %rem3A_21, %ne3A_22 : i32
    %lt3A = arith.constant 0 : i32
    %lt3A_24 = arith.cmpi slt, %rem3A_21, %lt3A : i32
    %lt3A_25 = arith.constant 0 : i32
    %lt3A_26 = arith.cmpi slt, %select_n3A_20, %lt3A_25 : i32
    %ne3A_27 = arith.xori %lt3A_24, %lt3A_26 : i1
    %and3A_28 = arith.andi %ne3A_27, %ne3A_23 : i1
    %add3A_29 = arith.addi %rem3A_21, %select_n3A_20 : i32
    %select_n3A_30 = arith.select %and3A_28, %add3A_29, %rem3A_21 : i32
    %mul3A_31 = arith.constant 8 : i32
    %mul3A_32 = arith.muli %select_n3A_30, %mul3A_31 : i32
    "tpu.region"() ({
      %run_scoped3A = tpu.sem_alloc : memref<!tpu.dma_semaphore, #tpu.memory_space<semaphore_mem>>
      %dma_start3A_50 = tpu.memref_slice %arg3[%select_n3A, %mul3A_32] : memref<3x88xi32, #tpu.memory_space<hbm>> -> memref<1x8xi32, #tpu.memory_space<hbm>>
      %dma_start3A_51 = tpu.memref_squeeze %dma_start3A_50 : memref<1x8xi32, #tpu.memory_space<hbm>> -> memref<8xi32, #tpu.memory_space<hbm>>
      %dma_start3A_52 = tpu.memref_slice %arg3[%select_n3A, %mul3A_32] : memref<3x88xi32, #tpu.memory_space<hbm>> -> memref<1x8xi32, #tpu.memory_space<hbm>>
      %dma_start3A_53 = tpu.memref_squeeze %dma_start3A_52 : memref<1x8xi32, #tpu.memory_space<hbm>> -> memref<8xi32, #tpu.memory_space<hbm>>
      tpu.enqueue_dma source(%dma_start3A_53 : memref<8xi32, #tpu.memory_space<hbm>>) target(%arg5 : memref<8xi32, #tpu.memory_space<vmem>>) target_semaphore(%run_scoped3A : memref<!tpu.dma_semaphore, #tpu.memory_space<semaphore_mem>>)
      %dma_wait3A_54 = tpu.memref_slice %arg3[%select_n3A, %mul3A_32] : memref<3x88xi32, #tpu.memory_space<hbm>> -> memref<1x8xi32, #tpu.memory_space<hbm>>
      %dma_wait3A_55 = tpu.memref_squeeze %dma_wait3A_54 : memref<1x8xi32, #tpu.memory_space<hbm>> -> memref<8xi32, #tpu.memory_space<hbm>>
      %dma_wait3A_56 = tpu.memref_slice %arg3[%select_n3A, %mul3A_32] : memref<3x88xi32, #tpu.memory_space<hbm>> -> memref<1x8xi32, #tpu.memory_space<hbm>>
      %dma_wait3A_57 = tpu.memref_squeeze %dma_wait3A_56 : memref<1x8xi32, #tpu.memory_space<hbm>> -> memref<8xi32, #tpu.memory_space<hbm>>
      tpu.wait_dma2 semaphore(%run_scoped3A : memref<!tpu.dma_semaphore, #tpu.memory_space<semaphore_mem>>) src(%dma_wait3A_57 : memref<8xi32, #tpu.memory_space<hbm>>) dst(%arg5 : memref<8xi32, #tpu.memory_space<vmem>>)
      tpu.yield
    }) : () -> ()
    %dma_start3A = arith.constant 0 : i32
    %dma_start3A_33 = arith.constant 0 : i32
    %dma_start3A_34 = tpu.memref_slice %arg2[%select_n3A, %dma_start3A, %dma_start3A_33] : memref<3x543x512xf32, #tpu.memory_space<hbm>> -> memref<1x543x512xf32, #tpu.memory_space<hbm>>
    %dma_start3A_35 = tpu.memref_squeeze %dma_start3A_34 : memref<1x543x512xf32, #tpu.memory_space<hbm>> -> memref<543x512xf32, #tpu.memory_space<hbm>>
    %dma_start3A_36 = arith.constant 0 : i32
    %dma_start3A_37 = arith.constant 0 : i32
    %dma_start3A_38 = tpu.memref_slice %dma_start3A_35[%dma_start3A_36, %dma_start3A_37] : memref<543x512xf32, #tpu.memory_space<hbm>> -> memref<543x512xf32, #tpu.memory_space<hbm>>
    tpu.enqueue_indirect_dma source(%dma_start3A_38 : memref<543x512xf32, #tpu.memory_space<hbm>>) target(%arg6 : memref<8x512xf32, #tpu.memory_space<vmem>>) offsets(%arg5 : memref<8xi32, #tpu.memory_space<vmem>>) semaphore(%arg7 : memref<!tpu.dma_semaphore, #tpu.memory_space<semaphore_mem>>)
    %dma_wait3A = arith.constant 0 : i32
    %dma_wait3A_39 = arith.constant 0 : i32
    %dma_wait3A_40 = tpu.memref_slice %arg2[%select_n3A, %dma_wait3A, %dma_wait3A_39] : memref<3x543x512xf32, #tpu.memory_space<hbm>> -> memref<1x543x512xf32, #tpu.memory_space<hbm>>
    %dma_wait3A_41 = tpu.memref_squeeze %dma_wait3A_40 : memref<1x543x512xf32, #tpu.memory_space<hbm>> -> memref<543x512xf32, #tpu.memory_space<hbm>>
    %dma_wait3A_42 = arith.constant 0 : i32
    %dma_wait3A_43 = arith.constant 0 : i32
    %dma_wait3A_44 = tpu.memref_slice %dma_wait3A_41[%dma_wait3A_42, %dma_wait3A_43] : memref<543x512xf32, #tpu.memory_space<hbm>> -> memref<543x512xf32, #tpu.memory_space<hbm>>
    tpu.wait_indirect_dma semaphore(%arg7 : memref<!tpu.dma_semaphore, #tpu.memory_space<semaphore_mem>>) src(%dma_wait3A_44 : memref<543x512xf32, #tpu.memory_space<hbm>>) dst(%arg6 : memref<8x512xf32, #tpu.memory_space<vmem>>)
    %mul3A_45 = arith.constant 8 : i32
    %mul3A_46 = arith.muli %select_n3A_30, %mul3A_45 : i32
    "tpu.region"() ({
      %run_scoped3A = tpu.sem_alloc : memref<!tpu.dma_semaphore, #tpu.memory_space<semaphore_mem>>
      %dma_start3A_50 = arith.constant 0 : i32
      %dma_start3A_51 = tpu.memref_slice %arg4[%select_n3A, %mul3A_46, %dma_start3A_50] : memref<3x88x512xf32, #tpu.memory_space<hbm>> -> memref<1x8x512xf32, #tpu.memory_space<hbm>>
      %dma_start3A_52 = tpu.memref_squeeze %dma_start3A_51 : memref<1x8x512xf32, #tpu.memory_space<hbm>> -> memref<8x512xf32, #tpu.memory_space<hbm>>
      %dma_start3A_53 = arith.constant 0 : i32
      %dma_start3A_54 = tpu.memref_slice %arg4[%select_n3A, %mul3A_46, %dma_start3A_53] : memref<3x88x512xf32, #tpu.memory_space<hbm>> -> memref<1x8x512xf32, #tpu.memory_space<hbm>>
      %dma_start3A_55 = tpu.memref_squeeze %dma_start3A_54 : memref<1x8x512xf32, #tpu.memory_space<hbm>> -> memref<8x512xf32, #tpu.memory_space<hbm>>
      tpu.enqueue_dma source(%arg6 : memref<8x512xf32, #tpu.memory_space<vmem>>) target(%dma_start3A_55 : memref<8x512xf32, #tpu.memory_space<hbm>>) target_semaphore(%run_scoped3A : memref<!tpu.dma_semaphore, #tpu.memory_space<semaphore_mem>>)
      %dma_wait3A_56 = arith.constant 0 : i32
      %dma_wait3A_57 = tpu.memref_slice %arg4[%select_n3A, %mul3A_46, %dma_wait3A_56] : memref<3x88x512xf32, #tpu.memory_space<hbm>> -> memref<1x8x512xf32, #tpu.memory_space<hbm>>
      %dma_wait3A_58 = tpu.memref_squeeze %dma_wait3A_57 : memref<1x8x512xf32, #tpu.memory_space<hbm>> -> memref<8x512xf32, #tpu.memory_space<hbm>>
      %dma_wait3A_59 = arith.constant 0 : i32
      %dma_wait3A_60 = tpu.memref_slice %arg4[%select_n3A, %mul3A_46, %dma_wait3A_59] : memref<3x88x512xf32, #tpu.memory_space<hbm>> -> memref<1x8x512xf32, #tpu.memory_space<hbm>>
      %dma_wait3A_61 = tpu.memref_squeeze %dma_wait3A_60 : memref<1x8x512xf32, #tpu.memory_space<hbm>> -> memref<8x512xf32, #tpu.memory_space<hbm>>
      tpu.wait_dma2 semaphore(%run_scoped3A : memref<!tpu.dma_semaphore, #tpu.memory_space<semaphore_mem>>) src(%arg6 : memref<8x512xf32, #tpu.memory_space<vmem>>) dst(%dma_wait3A_61 : memref<8x512xf32, #tpu.memory_space<hbm>>)
      tpu.yield
    }) : () -> ()
    %eq3A_47 = arith.constant 0 : i32
    %eq3A_48 = arith.cmpi eq, %add3A, %eq3A_47 : i32
    %convert_element_type3A = arith.extui %eq3A_48 : i1 to i32
    %cond3A = arith.constant 0 : i32
    %cond3A_49 = arith.cmpi ne, %convert_element_type3A, %cond3A : i32
    scf.if %cond3A_49 {
      %run_scoped3A = arith.constant 2 : i32
      "tpu.region"() ({
        %run_scoped3A_67 = tpu.sem_alloc : memref<!tpu.dma_semaphore, #tpu.memory_space<semaphore_mem>>
        %dma_start3A_68 = arith.constant 80 : i32
        %dma_start3A_69 = tpu.memref_slice %arg3[%run_scoped3A, %dma_start3A_68] : memref<3x88xi32, #tpu.memory_space<hbm>> -> memref<1x8xi32, #tpu.memory_space<hbm>>
        %dma_start3A_70 = tpu.memref_squeeze %dma_start3A_69 : memref<1x8xi32, #tpu.memory_space<hbm>> -> memref<8xi32, #tpu.memory_space<hbm>>
        %dma_start3A_71 = arith.constant 80 : i32
        %dma_start3A_72 = tpu.memref_slice %arg3[%run_scoped3A, %dma_start3A_71] : memref<3x88xi32, #tpu.memory_space<hbm>> -> memref<1x8xi32, #tpu.memory_space<hbm>>
        %dma_start3A_73 = tpu.memref_squeeze %dma_start3A_72 : memref<1x8xi32, #tpu.memory_space<hbm>> -> memref<8xi32, #tpu.memory_space<hbm>>
        tpu.enqueue_dma source(%dma_start3A_73 : memref<8xi32, #tpu.memory_space<hbm>>) target(%arg5 : memref<8xi32, #tpu.memory_space<vmem>>) target_semaphore(%run_scoped3A_67 : memref<!tpu.dma_semaphore, #tpu.memory_space<semaphore_mem>>)
        %dma_wait3A_74 = arith.constant 80 : i32
        %dma_wait3A_75 = tpu.memref_slice %arg3[%run_scoped3A, %dma_wait3A_74] : memref<3x88xi32, #tpu.memory_space<hbm>> -> memref<1x8xi32, #tpu.memory_space<hbm>>
        %dma_wait3A_76 = tpu.memref_squeeze %dma_wait3A_75 : memref<1x8xi32, #tpu.memory_space<hbm>> -> memref<8xi32, #tpu.memory_space<hbm>>
        %dma_wait3A_77 = arith.constant 80 : i32
        %dma_wait3A_78 = tpu.memref_slice %arg3[%run_scoped3A, %dma_wait3A_77] : memref<3x88xi32, #tpu.memory_space<hbm>> -> memref<1x8xi32, #tpu.memory_space<hbm>>
        %dma_wait3A_79 = tpu.memref_squeeze %dma_wait3A_78 : memref<1x8xi32, #tpu.memory_space<hbm>> -> memref<8xi32, #tpu.memory_space<hbm>>
        tpu.wait_dma2 semaphore(%run_scoped3A_67 : memref<!tpu.dma_semaphore, #tpu.memory_space<semaphore_mem>>) src(%dma_wait3A_79 : memref<8xi32, #tpu.memory_space<hbm>>) dst(%arg5 : memref<8xi32, #tpu.memory_space<vmem>>)
        tpu.yield
      }) : () -> ()
      %dma_start3A_50 = arith.constant 2 : i32
      %dma_start3A_51 = arith.constant 0 : i32
      %dma_start3A_52 = arith.constant 0 : i32
      %dma_start3A_53 = tpu.memref_slice %arg2[%dma_start3A_50, %dma_start3A_51, %dma_start3A_52] : memref<3x543x512xf32, #tpu.memory_space<hbm>> -> memref<1x543x512xf32, #tpu.memory_space<hbm>>
      %dma_start3A_54 = tpu.memref_squeeze %dma_start3A_53 : memref<1x543x512xf32, #tpu.memory_space<hbm>> -> memref<543x512xf32, #tpu.memory_space<hbm>>
      %dma_start3A_55 = arith.constant 0 : i32
      %dma_start3A_56 = arith.constant 0 : i32
      %dma_start3A_57 = tpu.memref_slice %dma_start3A_54[%dma_start3A_55, %dma_start3A_56] : memref<543x512xf32, #tpu.memory_space<hbm>> -> memref<543x512xf32, #tpu.memory_space<hbm>>
      tpu.enqueue_indirect_dma source(%dma_start3A_57 : memref<543x512xf32, #tpu.memory_space<hbm>>) target(%arg6 : memref<8x512xf32, #tpu.memory_space<vmem>>) offsets(%arg5 : memref<8xi32, #tpu.memory_space<vmem>>) semaphore(%arg7 : memref<!tpu.dma_semaphore, #tpu.memory_space<semaphore_mem>>)
      %dma_wait3A_58 = arith.constant 2 : i32
      %dma_wait3A_59 = arith.constant 0 : i32
      %dma_wait3A_60 = arith.constant 0 : i32
      %dma_wait3A_61 = tpu.memref_slice %arg2[%dma_wait3A_58, %dma_wait3A_59, %dma_wait3A_60] : memref<3x543x512xf32, #tpu.memory_space<hbm>> -> memref<1x543x512xf32, #tpu.memory_space<hbm>>
      %dma_wait3A_62 = tpu.memref_squeeze %dma_wait3A_61 : memref<1x543x512xf32, #tpu.memory_space<hbm>> -> memref<543x512xf32, #tpu.memory_space<hbm>>
      %dma_wait3A_63 = arith.constant 0 : i32
      %dma_wait3A_64 = arith.constant 0 : i32
      %dma_wait3A_65 = tpu.memref_slice %dma_wait3A_62[%dma_wait3A_63, %dma_wait3A_64] : memref<543x512xf32, #tpu.memory_space<hbm>> -> memref<543x512xf32, #tpu.memory_space<hbm>>
      tpu.wait_indirect_dma semaphore(%arg7 : memref<!tpu.dma_semaphore, #tpu.memory_space<semaphore_mem>>) src(%dma_wait3A_65 : memref<543x512xf32, #tpu.memory_space<hbm>>) dst(%arg6 : memref<8x512xf32, #tpu.memory_space<vmem>>)
      %run_scoped3A_66 = arith.constant 2 : i32
      "tpu.region"() ({
        %run_scoped3A_67 = tpu.sem_alloc : memref<!tpu.dma_semaphore, #tpu.memory_space<semaphore_mem>>
        %dma_start3A_68 = arith.constant 80 : i32
        %dma_start3A_69 = arith.constant 0 : i32
        %dma_start3A_70 = tpu.memref_slice %arg4[%run_scoped3A_66, %dma_start3A_68, %dma_start3A_69] : memref<3x88x512xf32, #tpu.memory_space<hbm>> -> memref<1x8x512xf32, #tpu.memory_space<hbm>>
        %dma_start3A_71 = tpu.memref_squeeze %dma_start3A_70 : memref<1x8x512xf32, #tpu.memory_space<hbm>> -> memref<8x512xf32, #tpu.memory_space<hbm>>
        %dma_start3A_72 = arith.constant 80 : i32
        %dma_start3A_73 = arith.constant 0 : i32
        %dma_start3A_74 = tpu.memref_slice %arg4[%run_scoped3A_66, %dma_start3A_72, %dma_start3A_73] : memref<3x88x512xf32, #tpu.memory_space<hbm>> -> memref<1x8x512xf32, #tpu.memory_space<hbm>>
        %dma_start3A_75 = tpu.memref_squeeze %dma_start3A_74 : memref<1x8x512xf32, #tpu.memory_space<hbm>> -> memref<8x512xf32, #tpu.memory_space<hbm>>
        tpu.enqueue_dma source(%arg6 : memref<8x512xf32, #tpu.memory_space<vmem>>) target(%dma_start3A_75 : memref<8x512xf32, #tpu.memory_space<hbm>>) target_semaphore(%run_scoped3A_67 : memref<!tpu.dma_semaphore, #tpu.memory_space<semaphore_mem>>)
        %dma_wait3A_76 = arith.constant 80 : i32
        %dma_wait3A_77 = arith.constant 0 : i32
        %dma_wait3A_78 = tpu.memref_slice %arg4[%run_scoped3A_66, %dma_wait3A_76, %dma_wait3A_77] : memref<3x88x512xf32, #tpu.memory_space<hbm>> -> memref<1x8x512xf32, #tpu.memory_space<hbm>>
        %dma_wait3A_79 = tpu.memref_squeeze %dma_wait3A_78 : memref<1x8x512xf32, #tpu.memory_space<hbm>> -> memref<8x512xf32, #tpu.memory_space<hbm>>
        %dma_wait3A_80 = arith.constant 80 : i32
        %dma_wait3A_81 = arith.constant 0 : i32
        %dma_wait3A_82 = tpu.memref_slice %arg4[%run_scoped3A_66, %dma_wait3A_80, %dma_wait3A_81] : memref<3x88x512xf32, #tpu.memory_space<hbm>> -> memref<1x8x512xf32, #tpu.memory_space<hbm>>
        %dma_wait3A_83 = tpu.memref_squeeze %dma_wait3A_82 : memref<1x8x512xf32, #tpu.memory_space<hbm>> -> memref<8x512xf32, #tpu.memory_space<hbm>>
        tpu.wait_dma2 semaphore(%run_scoped3A_67 : memref<!tpu.dma_semaphore, #tpu.memory_space<semaphore_mem>>) src(%arg6 : memref<8x512xf32, #tpu.memory_space<vmem>>) dst(%dma_wait3A_83 : memref<8x512xf32, #tpu.memory_space<hbm>>)
        tpu.yield
      }) : () -> ()
    } else {
    }
    return
  }
}

module attributes {stable_mosaic.version = 14 : i64} {
  func.func @_tc_body(%arg0: i32, %arg1: memref<1x543x512xf32, #tpu.memory_space<vmem>>, %arg2: memref<1x88x512xf32, #tpu.memory_space<vmem>>, %arg3: memref<8x543xf32, #tpu.memory_space<vmem>>, %arg4: memref<512x21xf32, #tpu.memory_space<vmem>>, %arg5: memref<1x84x252xf32, #tpu.memory_space<vmem>>, %arg6: memref<1x6804xf32, #tpu.memory_space<vmem>>, %arg7: memref<21x252xf32, #tpu.memory_space<vmem>>, %arg8: memref<6x252xf32, #tpu.memory_space<vmem>>) attributes {dimension_semantics = [#tpu.dimension_semantics<arbitrary>], iteration_bounds = array<i64: 3>, scalar_prefetch = 0 : i64, scratch_operands = 2 : i64, tpu.core_type = #tpu.core_type<tc>, window_params = [{transform_indices = @transform_0, window_bounds = array<i64: 1, 543, 512>}, {transform_indices = @transform_1, window_bounds = array<i64: 1, 88, 512>}, {pipeline_mode = #tpu.pipeline_mode<synchronous>, transform_indices = @transform_2, window_bounds = array<i64: 8, 543>}, {pipeline_mode = #tpu.pipeline_mode<synchronous>, transform_indices = @transform_3, window_bounds = array<i64: 512, 21>}, {transform_indices = @transform_4, window_bounds = array<i64: 1, 84, 252>}, {pipeline_mode = #tpu.pipeline_mode<synchronous>, transform_indices = @transform_5, window_bounds = array<i64: 1, 6804>}]} {
    %get3A = arith.constant 0 : index
    %get3A_0 = arith.constant 0 : index
    %get3A_1 = arith.constant 0 : index
    %get3A_2 = vector.load %arg1[%get3A, %get3A_0, %get3A_1] : memref<1x543x512xf32, #tpu.memory_space<vmem>>, vector<1x543x512xf32>
    %get3A_3 = vector.shape_cast %get3A_2 : vector<1x543x512xf32> to vector<543x512xf32>
    %get3A_4 = arith.constant 0 : index
    %get3A_5 = arith.constant 0 : index
    %get3A_6 = vector.load %arg3[%get3A_4, %get3A_5] : memref<8x543xf32, #tpu.memory_space<vmem>>, vector<8x543xf32>
    %dot_general3A = arith.constant dense<0.000000e+00> : vector<8x512xf32>
    %dot_general3A_7 = tpu.matmul %get3A_6, %get3A_3, %dot_general3A {dimension_numbers = #tpu.dot_dimension_numbers<[1], [0], [0], [1], [0, 0, 1, 1], [], []>, transpose_lhs_hint = false} : vector<8x543xf32>, vector<543x512xf32>, vector<8x512xf32> -> vector<8x512xf32>
    %slice3A = vector.extract_strided_slice %dot_general3A_7 {offsets = [0, 0], sizes = [2, 512], strides = [1, 1]} : vector<8x512xf32> to vector<2x512xf32>
    %get3A_8 = arith.constant 0 : index
    %get3A_9 = arith.constant 0 : index
    %get3A_10 = arith.constant 0 : index
    %get3A_11 = vector.load %arg2[%get3A_8, %get3A_9, %get3A_10] : memref<1x88x512xf32, #tpu.memory_space<vmem>>, vector<1x88x512xf32>
    %get3A_12 = vector.shape_cast %get3A_11 : vector<1x88x512xf32> to vector<88x512xf32>
    %slice3A_13 = vector.extract_strided_slice %get3A_12 {offsets = [0, 0], sizes = [82, 512], strides = [1, 1]} : vector<88x512xf32> to vector<82x512xf32>
    %concatenate3A = tpu.concatenate %slice3A, %slice3A_13 in 0 : vector<2x512xf32>, vector<82x512xf32> -> vector<84x512xf32>
    %get3A_14 = arith.constant 0 : index
    %get3A_15 = arith.constant 0 : index
    %get3A_16 = vector.load %arg4[%get3A_14, %get3A_15] : memref<512x21xf32, #tpu.memory_space<vmem>>, vector<512x21xf32>
    %dot_general3A_17 = arith.constant dense<0.000000e+00> : vector<84x21xf32>
    %dot_general3A_18 = tpu.matmul %concatenate3A, %get3A_16, %dot_general3A_17 {dimension_numbers = #tpu.dot_dimension_numbers<[1], [0], [0], [1], [0, 0, 1, 1], [], []>, transpose_lhs_hint = false} : vector<84x512xf32>, vector<512x21xf32>, vector<84x21xf32> -> vector<84x21xf32>
    %mul3A = arith.mulf %concatenate3A, %concatenate3A : vector<84x512xf32>
    %get3A_19 = arith.constant 0 : index
    %get3A_20 = arith.constant 0 : index
    %get3A_21 = vector.load %arg4[%get3A_19, %get3A_20] : memref<512x21xf32, #tpu.memory_space<vmem>>, vector<512x6xf32>
    %dot_general3A_22 = arith.constant dense<0.000000e+00> : vector<84x6xf32>
    %dot_general3A_23 = tpu.matmul %mul3A, %get3A_21, %dot_general3A_22 {dimension_numbers = #tpu.dot_dimension_numbers<[1], [0], [0], [1], [0, 0, 1, 1], [], []>, transpose_lhs_hint = false} : vector<84x512xf32>, vector<512x6xf32>, vector<84x6xf32> -> vector<84x6xf32>
    %get3A_24 = arith.constant 0 : index
    %get3A_25 = arith.constant 0 : index
    %get3A_26 = arith.constant 0 : index
    %get3A_27 = vector.load %arg5[%get3A_24, %get3A_25, %get3A_26] : memref<1x84x252xf32, #tpu.memory_space<vmem>>, vector<1x84x252xf32>
    %get3A_28 = vector.shape_cast %get3A_27 : vector<1x84x252xf32> to vector<84x252xf32>
    %dot_general3A_29 = arith.constant dense<0.000000e+00> : vector<21x252xf32>
    %dot_general3A_30 = tpu.matmul %dot_general3A_18, %get3A_28, %dot_general3A_29 {dimension_numbers = #tpu.dot_dimension_numbers<[0], [0], [1], [1], [0, 1, 1, 1], [], []>, transpose_lhs_hint = false} : vector<84x21xf32>, vector<84x252xf32>, vector<21x252xf32> -> vector<21x252xf32>
    %dot_general3A_31 = arith.constant dense<0.000000e+00> : vector<6x252xf32>
    %dot_general3A_32 = tpu.matmul %dot_general3A_23, %get3A_28, %dot_general3A_31 {dimension_numbers = #tpu.dot_dimension_numbers<[0], [0], [1], [1], [0, 1, 1, 1], [], []>, transpose_lhs_hint = false} : vector<84x6xf32>, vector<84x252xf32>, vector<6x252xf32> -> vector<6x252xf32>
    %eq3A = arith.constant 0 : i32
    %eq3A_33 = arith.cmpi eq, %arg0, %eq3A : i32
    %convert_element_type3A = arith.extui %eq3A_33 : i1 to i32
    %cond3A = arith.constant 0 : i32
    %cond3A_34 = arith.cmpi ne, %convert_element_type3A, %cond3A : i32
    scf.if %cond3A_34 {
      %swap3A = arith.constant 0 : index
      %swap3A_44 = arith.constant 0 : index
      %swap3A_45 = vector.load %arg7[%swap3A, %swap3A_44] : memref<21x252xf32, #tpu.memory_space<vmem>>, vector<21x252xf32>
      tpu.vector_store %arg7[%swap3A, %swap3A_44], %dot_general3A_30 {strides = array<i32>} : memref<21x252xf32, #tpu.memory_space<vmem>>, vector<21x252xf32>,
      %swap3A_46 = arith.constant 0 : index
      %swap3A_47 = arith.constant 0 : index
      %swap3A_48 = vector.load %arg8[%swap3A_46, %swap3A_47] : memref<6x252xf32, #tpu.memory_space<vmem>>, vector<6x252xf32>
      tpu.vector_store %arg8[%swap3A_46, %swap3A_47], %dot_general3A_32 {strides = array<i32>} : memref<6x252xf32, #tpu.memory_space<vmem>>, vector<6x252xf32>,
    } else {
    }
    %gt3A = arith.constant 0 : i32
    %gt3A_35 = arith.cmpi sgt, %arg0, %gt3A : i32
    %convert_element_type3A_36 = arith.extui %gt3A_35 : i1 to i32
    %cond3A_37 = arith.constant 0 : i32
    %cond3A_38 = arith.cmpi ne, %convert_element_type3A_36, %cond3A_37 : i32
    scf.if %cond3A_38 {
      %get3A_44 = arith.constant 0 : index
      %get3A_45 = arith.constant 0 : index
      %get3A_46 = vector.load %arg7[%get3A_44, %get3A_45] : memref<21x252xf32, #tpu.memory_space<vmem>>, vector<21x252xf32>
      %add3A = arith.addf %get3A_46, %dot_general3A_30 : vector<21x252xf32>
      %swap3A = arith.constant 0 : index
      %swap3A_47 = arith.constant 0 : index
      %swap3A_48 = vector.load %arg7[%swap3A, %swap3A_47] : memref<21x252xf32, #tpu.memory_space<vmem>>, vector<21x252xf32>
      tpu.vector_store %arg7[%swap3A, %swap3A_47], %add3A {strides = array<i32>} : memref<21x252xf32, #tpu.memory_space<vmem>>, vector<21x252xf32>,
      %get3A_49 = arith.constant 0 : index
      %get3A_50 = arith.constant 0 : index
      %get3A_51 = vector.load %arg8[%get3A_49, %get3A_50] : memref<6x252xf32, #tpu.memory_space<vmem>>, vector<6x252xf32>
      %add3A_52 = arith.addf %get3A_51, %dot_general3A_32 : vector<6x252xf32>
      %swap3A_53 = arith.constant 0 : index
      %swap3A_54 = arith.constant 0 : index
      %swap3A_55 = vector.load %arg8[%swap3A_53, %swap3A_54] : memref<6x252xf32, #tpu.memory_space<vmem>>, vector<6x252xf32>
      tpu.vector_store %arg8[%swap3A_53, %swap3A_54], %add3A_52 {strides = array<i32>} : memref<6x252xf32, #tpu.memory_space<vmem>>, vector<6x252xf32>,
    } else {
    }
    %eq3A_39 = arith.constant 2 : i32
    %eq3A_40 = arith.cmpi eq, %arg0, %eq3A_39 : i32
    %convert_element_type3A_41 = arith.extui %eq3A_40 : i1 to i32
    %cond3A_42 = arith.constant 0 : i32
    %cond3A_43 = arith.cmpi ne, %convert_element_type3A_41, %cond3A_42 : i32
    scf.if %cond3A_43 {
      %get3A_44 = arith.constant 0 : index
      %get3A_45 = arith.constant 0 : index
      %get3A_46 = vector.load %arg7[%get3A_44, %get3A_45] : memref<21x252xf32, #tpu.memory_space<vmem>>, vector<6x252xf32>
      %get3A_47 = arith.constant 0 : index
      %get3A_48 = arith.constant 0 : index
      %get3A_49 = vector.load %arg8[%get3A_47, %get3A_48] : memref<6x252xf32, #tpu.memory_space<vmem>>, vector<6x252xf32>
      %mul3A_50 = arith.mulf %get3A_46, %get3A_46 : vector<6x252xf32>
      %sub3A = arith.subf %get3A_49, %mul3A_50 : vector<6x252xf32>
      %max3A = arith.constant 0.000000e+00 : f32
      %max3A_51 = vector.broadcast %max3A : f32 to vector<6x252xf32>
      %max3A_52 = arith.maximumf %sub3A, %max3A_51 : vector<6x252xf32>
      %sqrt3A = math.sqrt %max3A_52 : vector<6x252xf32>
      %get3A_53 = arith.constant 6 : index
      %get3A_54 = arith.constant 0 : index
      %get3A_55 = vector.load %arg7[%get3A_53, %get3A_54] : memref<21x252xf32, #tpu.memory_space<vmem>>, vector<15x252xf32>
      %slice3A_56 = vector.extract_strided_slice %get3A_46 {offsets = [0, 0], sizes = [1, 252], strides = [1, 1]} : vector<6x252xf32> to vector<1x252xf32>
      %swap3A = arith.constant 0 : index
      %swap3A_57 = arith.constant 0 : index
      %swap3A_58 = vector.load %arg6[%swap3A, %swap3A_57] : memref<1x6804xf32, #tpu.memory_space<vmem>>, vector<1x252xf32>
      tpu.vector_store %arg6[%swap3A, %swap3A_57], %slice3A_56 {strides = array<i32>} : memref<1x6804xf32, #tpu.memory_space<vmem>>, vector<1x252xf32>,
      %slice3A_59 = vector.extract_strided_slice %sqrt3A {offsets = [0, 0], sizes = [1, 252], strides = [1, 1]} : vector<6x252xf32> to vector<1x252xf32>
      %swap3A_60 = arith.constant 0 : index
      %swap3A_61 = arith.constant 252 : index
      %swap3A_62 = vector.load %arg6[%swap3A_60, %swap3A_61] : memref<1x6804xf32, #tpu.memory_space<vmem>>, vector<1x252xf32>
      tpu.vector_store %arg6[%swap3A_60, %swap3A_61], %slice3A_59 {strides = array<i32>} : memref<1x6804xf32, #tpu.memory_space<vmem>>, vector<1x252xf32>,
      %slice3A_63 = vector.extract_strided_slice %get3A_46 {offsets = [1, 0], sizes = [1, 252], strides = [1, 1]} : vector<6x252xf32> to vector<1x252xf32>
      %swap3A_64 = arith.constant 0 : index
      %swap3A_65 = arith.constant 504 : index
      %swap3A_66 = vector.load %arg6[%swap3A_64, %swap3A_65] : memref<1x6804xf32, #tpu.memory_space<vmem>>, vector<1x252xf32>
      tpu.vector_store %arg6[%swap3A_64, %swap3A_65], %slice3A_63 {strides = array<i32>} : memref<1x6804xf32, #tpu.memory_space<vmem>>, vector<1x252xf32>,
      %slice3A_67 = vector.extract_strided_slice %sqrt3A {offsets = [1, 0], sizes = [1, 252], strides = [1, 1]} : vector<6x252xf32> to vector<1x252xf32>
      %swap3A_68 = arith.constant 0 : index
      %swap3A_69 = arith.constant 756 : index
      %swap3A_70 = vector.load %arg6[%swap3A_68, %swap3A_69] : memref<1x6804xf32, #tpu.memory_space<vmem>>, vector<1x252xf32>
      tpu.vector_store %arg6[%swap3A_68, %swap3A_69], %slice3A_67 {strides = array<i32>} : memref<1x6804xf32, #tpu.memory_space<vmem>>, vector<1x252xf32>,
      %slice3A_71 = vector.extract_strided_slice %get3A_46 {offsets = [2, 0], sizes = [1, 252], strides = [1, 1]} : vector<6x252xf32> to vector<1x252xf32>
      %swap3A_72 = arith.constant 0 : index
      %swap3A_73 = arith.constant 1008 : index
      %swap3A_74 = vector.load %arg6[%swap3A_72, %swap3A_73] : memref<1x6804xf32, #tpu.memory_space<vmem>>, vector<1x252xf32>
      tpu.vector_store %arg6[%swap3A_72, %swap3A_73], %slice3A_71 {strides = array<i32>} : memref<1x6804xf32, #tpu.memory_space<vmem>>, vector<1x252xf32>,
      %slice3A_75 = vector.extract_strided_slice %sqrt3A {offsets = [2, 0], sizes = [1, 252], strides = [1, 1]} : vector<6x252xf32> to vector<1x252xf32>
      %swap3A_76 = arith.constant 0 : index
      %swap3A_77 = arith.constant 1260 : index
      %swap3A_78 = vector.load %arg6[%swap3A_76, %swap3A_77] : memref<1x6804xf32, #tpu.memory_space<vmem>>, vector<1x252xf32>
      tpu.vector_store %arg6[%swap3A_76, %swap3A_77], %slice3A_75 {strides = array<i32>} : memref<1x6804xf32, #tpu.memory_space<vmem>>, vector<1x252xf32>,
      %slice3A_79 = vector.extract_strided_slice %get3A_46 {offsets = [3, 0], sizes = [1, 252], strides = [1, 1]} : vector<6x252xf32> to vector<1x252xf32>
      %swap3A_80 = arith.constant 0 : index
      %swap3A_81 = arith.constant 1512 : index
      %swap3A_82 = vector.load %arg6[%swap3A_80, %swap3A_81] : memref<1x6804xf32, #tpu.memory_space<vmem>>, vector<1x252xf32>
      tpu.vector_store %arg6[%swap3A_80, %swap3A_81], %slice3A_79 {strides = array<i32>} : memref<1x6804xf32, #tpu.memory_space<vmem>>, vector<1x252xf32>,
      %slice3A_83 = vector.extract_strided_slice %sqrt3A {offsets = [3, 0], sizes = [1, 252], strides = [1, 1]} : vector<6x252xf32> to vector<1x252xf32>
      %swap3A_84 = arith.constant 0 : index
      %swap3A_85 = arith.constant 1764 : index
      %swap3A_86 = vector.load %arg6[%swap3A_84, %swap3A_85] : memref<1x6804xf32, #tpu.memory_space<vmem>>, vector<1x252xf32>
      tpu.vector_store %arg6[%swap3A_84, %swap3A_85], %slice3A_83 {strides = array<i32>} : memref<1x6804xf32, #tpu.memory_space<vmem>>, vector<1x252xf32>,
      %slice3A_87 = vector.extract_strided_slice %get3A_46 {offsets = [4, 0], sizes = [1, 252], strides = [1, 1]} : vector<6x252xf32> to vector<1x252xf32>
      %swap3A_88 = arith.constant 0 : index
      %swap3A_89 = arith.constant 2016 : index
      %swap3A_90 = vector.load %arg6[%swap3A_88, %swap3A_89] : memref<1x6804xf32, #tpu.memory_space<vmem>>, vector<1x252xf32>
      tpu.vector_store %arg6[%swap3A_88, %swap3A_89], %slice3A_87 {strides = array<i32>} : memref<1x6804xf32, #tpu.memory_space<vmem>>, vector<1x252xf32>,
      %slice3A_91 = vector.extract_strided_slice %sqrt3A {offsets = [4, 0], sizes = [1, 252], strides = [1, 1]} : vector<6x252xf32> to vector<1x252xf32>
      %swap3A_92 = arith.constant 0 : index
      %swap3A_93 = arith.constant 2268 : index
      %swap3A_94 = vector.load %arg6[%swap3A_92, %swap3A_93] : memref<1x6804xf32, #tpu.memory_space<vmem>>, vector<1x252xf32>
      tpu.vector_store %arg6[%swap3A_92, %swap3A_93], %slice3A_91 {strides = array<i32>} : memref<1x6804xf32, #tpu.memory_space<vmem>>, vector<1x252xf32>,
      %slice3A_95 = vector.extract_strided_slice %get3A_46 {offsets = [5, 0], sizes = [1, 252], strides = [1, 1]} : vector<6x252xf32> to vector<1x252xf32>
      %swap3A_96 = arith.constant 0 : index
      %swap3A_97 = arith.constant 2520 : index
      %swap3A_98 = vector.load %arg6[%swap3A_96, %swap3A_97] : memref<1x6804xf32, #tpu.memory_space<vmem>>, vector<1x252xf32>
      tpu.vector_store %arg6[%swap3A_96, %swap3A_97], %slice3A_95 {strides = array<i32>} : memref<1x6804xf32, #tpu.memory_space<vmem>>, vector<1x252xf32>,
      %slice3A_99 = vector.extract_strided_slice %sqrt3A {offsets = [5, 0], sizes = [1, 252], strides = [1, 1]} : vector<6x252xf32> to vector<1x252xf32>
      %swap3A_100 = arith.constant 0 : index
      %swap3A_101 = arith.constant 2772 : index
      %swap3A_102 = vector.load %arg6[%swap3A_100, %swap3A_101] : memref<1x6804xf32, #tpu.memory_space<vmem>>, vector<1x252xf32>
      tpu.vector_store %arg6[%swap3A_100, %swap3A_101], %slice3A_99 {strides = array<i32>} : memref<1x6804xf32, #tpu.memory_space<vmem>>, vector<1x252xf32>,
      %slice3A_103 = vector.extract_strided_slice %get3A_55 {offsets = [0, 0], sizes = [1, 252], strides = [1, 1]} : vector<15x252xf32> to vector<1x252xf32>
      %swap3A_104 = arith.constant 0 : index
      %swap3A_105 = arith.constant 3024 : index
      %swap3A_106 = vector.load %arg6[%swap3A_104, %swap3A_105] : memref<1x6804xf32, #tpu.memory_space<vmem>>, vector<1x252xf32>
      tpu.vector_store %arg6[%swap3A_104, %swap3A_105], %slice3A_103 {strides = array<i32>} : memref<1x6804xf32, #tpu.memory_space<vmem>>, vector<1x252xf32>,
      %slice3A_107 = vector.extract_strided_slice %get3A_55 {offsets = [1, 0], sizes = [1, 252], strides = [1, 1]} : vector<15x252xf32> to vector<1x252xf32>
      %swap3A_108 = arith.constant 0 : index
      %swap3A_109 = arith.constant 3276 : index
      %swap3A_110 = vector.load %arg6[%swap3A_108, %swap3A_109] : memref<1x6804xf32, #tpu.memory_space<vmem>>, vector<1x252xf32>
      tpu.vector_store %arg6[%swap3A_108, %swap3A_109], %slice3A_107 {strides = array<i32>} : memref<1x6804xf32, #tpu.memory_space<vmem>>, vector<1x252xf32>,
      %slice3A_111 = vector.extract_strided_slice %get3A_55 {offsets = [2, 0], sizes = [1, 252], strides = [1, 1]} : vector<15x252xf32> to vector<1x252xf32>
      %swap3A_112 = arith.constant 0 : index
      %swap3A_113 = arith.constant 3528 : index
      %swap3A_114 = vector.load %arg6[%swap3A_112, %swap3A_113] : memref<1x6804xf32, #tpu.memory_space<vmem>>, vector<1x252xf32>
      tpu.vector_store %arg6[%swap3A_112, %swap3A_113], %slice3A_111 {strides = array<i32>} : memref<1x6804xf32, #tpu.memory_space<vmem>>, vector<1x252xf32>,
      %slice3A_115 = vector.extract_strided_slice %get3A_55 {offsets = [3, 0], sizes = [1, 252], strides = [1, 1]} : vector<15x252xf32> to vector<1x252xf32>
      %swap3A_116 = arith.constant 0 : index
      %swap3A_117 = arith.constant 3780 : index
      %swap3A_118 = vector.load %arg6[%swap3A_116, %swap3A_117] : memref<1x6804xf32, #tpu.memory_space<vmem>>, vector<1x252xf32>
      tpu.vector_store %arg6[%swap3A_116, %swap3A_117], %slice3A_115 {strides = array<i32>} : memref<1x6804xf32, #tpu.memory_space<vmem>>, vector<1x252xf32>,
      %slice3A_119 = vector.extract_strided_slice %get3A_55 {offsets = [4, 0], sizes = [1, 252], strides = [1, 1]} : vector<15x252xf32> to vector<1x252xf32>
      %swap3A_120 = arith.constant 0 : index
      %swap3A_121 = arith.constant 4032 : index
      %swap3A_122 = vector.load %arg6[%swap3A_120, %swap3A_121] : memref<1x6804xf32, #tpu.memory_space<vmem>>, vector<1x252xf32>
      tpu.vector_store %arg6[%swap3A_120, %swap3A_121], %slice3A_119 {strides = array<i32>} : memref<1x6804xf32, #tpu.memory_space<vmem>>, vector<1x252xf32>,
      %slice3A_123 = vector.extract_strided_slice %get3A_55 {offsets = [5, 0], sizes = [1, 252], strides = [1, 1]} : vector<15x252xf32> to vector<1x252xf32>
      %swap3A_124 = arith.constant 0 : index
      %swap3A_125 = arith.constant 4284 : index
      %swap3A_126 = vector.load %arg6[%swap3A_124, %swap3A_125] : memref<1x6804xf32, #tpu.memory_space<vmem>>, vector<1x252xf32>
      tpu.vector_store %arg6[%swap3A_124, %swap3A_125], %slice3A_123 {strides = array<i32>} : memref<1x6804xf32, #tpu.memory_space<vmem>>, vector<1x252xf32>,
      %slice3A_127 = vector.extract_strided_slice %get3A_55 {offsets = [6, 0], sizes = [1, 252], strides = [1, 1]} : vector<15x252xf32> to vector<1x252xf32>
      %swap3A_128 = arith.constant 0 : index
      %swap3A_129 = arith.constant 4536 : index
      %swap3A_130 = vector.load %arg6[%swap3A_128, %swap3A_129] : memref<1x6804xf32, #tpu.memory_space<vmem>>, vector<1x252xf32>
      tpu.vector_store %arg6[%swap3A_128, %swap3A_129], %slice3A_127 {strides = array<i32>} : memref<1x6804xf32, #tpu.memory_space<vmem>>, vector<1x252xf32>,
      %slice3A_131 = vector.extract_strided_slice %get3A_55 {offsets = [7, 0], sizes = [1, 252], strides = [1, 1]} : vector<15x252xf32> to vector<1x252xf32>
      %swap3A_132 = arith.constant 0 : index
      %swap3A_133 = arith.constant 4788 : index
      %swap3A_134 = vector.load %arg6[%swap3A_132, %swap3A_133] : memref<1x6804xf32, #tpu.memory_space<vmem>>, vector<1x252xf32>
      tpu.vector_store %arg6[%swap3A_132, %swap3A_133], %slice3A_131 {strides = array<i32>} : memref<1x6804xf32, #tpu.memory_space<vmem>>, vector<1x252xf32>,
      %slice3A_135 = vector.extract_strided_slice %get3A_55 {offsets = [8, 0], sizes = [1, 252], strides = [1, 1]} : vector<15x252xf32> to vector<1x252xf32>
      %swap3A_136 = arith.constant 0 : index
      %swap3A_137 = arith.constant 5040 : index
      %swap3A_138 = vector.load %arg6[%swap3A_136, %swap3A_137] : memref<1x6804xf32, #tpu.memory_space<vmem>>, vector<1x252xf32>
      tpu.vector_store %arg6[%swap3A_136, %swap3A_137], %slice3A_135 {strides = array<i32>} : memref<1x6804xf32, #tpu.memory_space<vmem>>, vector<1x252xf32>,
      %slice3A_139 = vector.extract_strided_slice %get3A_55 {offsets = [9, 0], sizes = [1, 252], strides = [1, 1]} : vector<15x252xf32> to vector<1x252xf32>
      %swap3A_140 = arith.constant 0 : index
      %swap3A_141 = arith.constant 5292 : index
      %swap3A_142 = vector.load %arg6[%swap3A_140, %swap3A_141] : memref<1x6804xf32, #tpu.memory_space<vmem>>, vector<1x252xf32>
      tpu.vector_store %arg6[%swap3A_140, %swap3A_141], %slice3A_139 {strides = array<i32>} : memref<1x6804xf32, #tpu.memory_space<vmem>>, vector<1x252xf32>,
      %slice3A_143 = vector.extract_strided_slice %get3A_55 {offsets = [10, 0], sizes = [1, 252], strides = [1, 1]} : vector<15x252xf32> to vector<1x252xf32>
      %swap3A_144 = arith.constant 0 : index
      %swap3A_145 = arith.constant 5544 : index
      %swap3A_146 = vector.load %arg6[%swap3A_144, %swap3A_145] : memref<1x6804xf32, #tpu.memory_space<vmem>>, vector<1x252xf32>
      tpu.vector_store %arg6[%swap3A_144, %swap3A_145], %slice3A_143 {strides = array<i32>} : memref<1x6804xf32, #tpu.memory_space<vmem>>, vector<1x252xf32>,
      %slice3A_147 = vector.extract_strided_slice %get3A_55 {offsets = [11, 0], sizes = [1, 252], strides = [1, 1]} : vector<15x252xf32> to vector<1x252xf32>
      %swap3A_148 = arith.constant 0 : index
      %swap3A_149 = arith.constant 5796 : index
      %swap3A_150 = vector.load %arg6[%swap3A_148, %swap3A_149] : memref<1x6804xf32, #tpu.memory_space<vmem>>, vector<1x252xf32>
      tpu.vector_store %arg6[%swap3A_148, %swap3A_149], %slice3A_147 {strides = array<i32>} : memref<1x6804xf32, #tpu.memory_space<vmem>>, vector<1x252xf32>,
      %slice3A_151 = vector.extract_strided_slice %get3A_55 {offsets = [12, 0], sizes = [1, 252], strides = [1, 1]} : vector<15x252xf32> to vector<1x252xf32>
      %swap3A_152 = arith.constant 0 : index
      %swap3A_153 = arith.constant 6048 : index
      %swap3A_154 = vector.load %arg6[%swap3A_152, %swap3A_153] : memref<1x6804xf32, #tpu.memory_space<vmem>>, vector<1x252xf32>
      tpu.vector_store %arg6[%swap3A_152, %swap3A_153], %slice3A_151 {strides = array<i32>} : memref<1x6804xf32, #tpu.memory_space<vmem>>, vector<1x252xf32>,
      %slice3A_155 = vector.extract_strided_slice %get3A_55 {offsets = [13, 0], sizes = [1, 252], strides = [1, 1]} : vector<15x252xf32> to vector<1x252xf32>
      %swap3A_156 = arith.constant 0 : index
      %swap3A_157 = arith.constant 6300 : index
      %swap3A_158 = vector.load %arg6[%swap3A_156, %swap3A_157] : memref<1x6804xf32, #tpu.memory_space<vmem>>, vector<1x252xf32>
      tpu.vector_store %arg6[%swap3A_156, %swap3A_157], %slice3A_155 {strides = array<i32>} : memref<1x6804xf32, #tpu.memory_space<vmem>>, vector<1x252xf32>,
      %slice3A_159 = vector.extract_strided_slice %get3A_55 {offsets = [14, 0], sizes = [1, 252], strides = [1, 1]} : vector<15x252xf32> to vector<1x252xf32>
      %swap3A_160 = arith.constant 0 : index
      %swap3A_161 = arith.constant 6552 : index
      %swap3A_162 = vector.load %arg6[%swap3A_160, %swap3A_161] : memref<1x6804xf32, #tpu.memory_space<vmem>>, vector<1x252xf32>
      tpu.vector_store %arg6[%swap3A_160, %swap3A_161], %slice3A_159 {strides = array<i32>} : memref<1x6804xf32, #tpu.memory_space<vmem>>, vector<1x252xf32>,
    } else {
    }
    return
  }
  func.func @transform_0(%arg0: i32) -> (i32, i32, i32) {
    %c0_i32 = arith.constant 0 : i32
    %c0_i32_0 = arith.constant 0 : i32
    %c0_i32_1 = arith.constant 0 : i32
    return %arg0, %c0_i32, %c0_i32_0 : i32, i32, i32
  }
  func.func @transform_1(%arg0: i32) -> (i32, i32, i32) {
    %c0_i32 = arith.constant 0 : i32
    %c0_i32_0 = arith.constant 0 : i32
    %c0_i32_1 = arith.constant 0 : i32
    return %arg0, %c0_i32, %c0_i32_0 : i32, i32, i32
  }
  func.func @transform_2(%arg0: i32) -> (i32, i32) {
    %c0_i32 = arith.constant 0 : i32
    %c0_i32_0 = arith.constant 0 : i32
    %c0_i32_1 = arith.constant 0 : i32
    return %c0_i32, %c0_i32_0 : i32, i32
  }
  func.func @transform_3(%arg0: i32) -> (i32, i32) {
    %c0_i32 = arith.constant 0 : i32
    %c0_i32_0 = arith.constant 0 : i32
    %c0_i32_1 = arith.constant 0 : i32
    return %c0_i32, %c0_i32_0 : i32, i32
  }
  func.func @transform_4(%arg0: i32) -> (i32, i32, i32) {
    %c0_i32 = arith.constant 0 : i32
    %c0_i32_0 = arith.constant 0 : i32
    %c0_i32_1 = arith.constant 0 : i32
    return %arg0, %c0_i32, %c0_i32_0 : i32, i32, i32
  }
  func.func @transform_5(%arg0: i32) -> (i32, i32) {
    %c0_i32 = arith.constant 0 : i32
    %c0_i32_0 = arith.constant 0 : i32
    %c0_i32_1 = arith.constant 0 : i32
    return %c0_i32, %c0_i32_0 : i32, i32
  }
}

</mosaic_0001>

<sc_bundles>
// kernel: kernel.4.cloned.1.call-start
scs
__scs_entry_jumppad:
0x0: {  	(pc) =	sbr.rel $0x88, $3  }
0x1: {  	(tag) =	ssettag $0x0;
	lr =	simm.s32 $0x1  }
0x2: {  	[smem:$0x3FA0] =	sst lr;
	_ =	strace $0xD0000000  }
0x3: {  	_ = 	snop  }
0x4: {  	_ = 	snop  }
0x5: {  	_ = 	snop  }
0x6: {  	_ = 	snop  }
0x7: {  	_ = 	snop  }
__scs_overlays_trampoline_lowered:
0x8: {  	[smem:$0x3FAF] =	sst s0  }
0x9: {  	[smem:$0x3FB0] =	sst s1  }
0xa: {  	[smem:$0x3FB1] =	sst s2  }
0xb: {  	[smem:$0x3FB2] =	sst s3  }
0xc: {  	[smem:$0x3FB3] =	sst s4  }
0xd: {  	[smem:$0x3FB4] =	sst s5  }
0xe: {  	[smem:$0x3FB5] =	sst s6  }
0xf: {  	[smem:$0x3FB6] =	sst s7  }
0x10: {  	[smem:$0x3FB7] =	sst s8  }
0x11: {  	[smem:$0x3FB8] =	sst s9;
	s0 =	simm.s32 @!p0 $0x0  }
0x12: {  	s1 =	sld [smem:$0x3F9E];
	s0 =	simm.s32 @p0 $0x1  }
0x13: {  	[smem:$0x3FB9] =	sst s0;
	s0 =	simm.s32 @!p1 $0x0  }
0x14: {  	s2 =	sld [smem:$0x3F9D];
	s0 =	simm.s32 @p1 $0x1  }
0x15: {  	[smem:$0x3FBA] =	sst s0;
	s0 =	simm.s32 @!p2 $0x0  }
0x16: {  	s3 =	sld [smem:$0x3FDB];
	s0 =	simm.s32 @p2 $0x1  }
0x17: {  	s4 =	simm.s32 $0x1BF5;
	[smem:$0x3FBC] =	sst s0  }
0x18: {  	s0 =	sld [smem:$0x3F9F];
	_ =	swait.ge [sflag:s4], $0x0  }
0x19: {  	s7 =	sld [smem:$0x3FA0]  }
0x1a: {  	s8 =	sadd.s32 $0xFFFFE003, lr  }
0x1b: {  	s9 =	sadd.s32 $0xFFFFFEF7, lr;
	s5 =	simm.s32 $0xFFFFFFFF;
	p2 =	slt.u32 s8, $0xFFFFF086  }
0x1c: {  	p1 =	slt.u32 s9, $0xF7A;
	s5 =	simm.s32 @!p2 $0x0  }
0x1d: {  	s5 =	simm.s32 @p1 $0x1;
	p0 =	seq.s32 s7, s2  }
0x1e: {  	s7 =	smul.u32 @!p0 $0xF7A, s2;
	p2 =	seq.s32 @!p0 s5, $0x0  }
0x1f: {  	s9 =	smul.u32 $0xF7A, s1;
	s8 =	simm.s32 @!p0 $0x1BF5;
	p2 =	por !p2, p0  }
0x20: {  	[sflag:s8] =	ssyncset.s32 @!p0 $0xFFFFF086;
	s6 =	sadd.s32 @!p0 s3, s7;
	s7 =	simm.s32 @!p0 $0x108  }
0x21: {  	s3 =	sadd.s32 s3, s9;
	s6 =	sadd.s32 @!p0 $0x88, s6;
	s7 =	simm.s32 @p2 $0x1082  }
0x22: {  	[simem:s7], [sflag:s8] =	dma.local @!p0 [hbm:s6], $0xF7A  }
0x23: {  	s9 =	sor.u32 $0xD0000000, s2;
	s6 =	simm.s32 $0x108;
	_ =	swait.ge @!p0 [sflag:s8], $0x0  }
0x24: {  	s3 =	sadd.s32 $0x88, s3;
	s6 =	simm.s32 @!p1 $0x1082;
	[sflag:s4] =	ssyncset.s32 $0xFFFFF086  }
0x25: {  	[simem:s6], [sflag:s4] =	dma.local [hbm:s3], $0xF7A  }
0x26: {  	[smem:$0x3FA0] =	sst s1;
	(tag) =	ssettag s2;
	_ =	strace s9  }
0x27: {  	s1 =	sld [smem:$0x3FB0]  }
0x28: {  	s2 =	sld [smem:$0x3FB1]  }
0x29: {  	s4 =	sld [smem:$0x3FB3]  }
0x2a: {  	p0 =	seq.s32 s5, $0x0;
	s5 =	sld [smem:$0x3FB4]  }
0x2b: {  	s6 =	sld [smem:$0x3FB5]  }
0x2c: {  	s7 =	sld [smem:$0x3FB6]  }
0x2d: {  	s3 =	simm.s32 $0x108;
	s8 =	sld [smem:$0x3FB7]  }
0x2e: {  	s3 =	simm.s32 @!p0 $0x1082;
	s9 =	sld [smem:$0x3FB8]  }
0x2f: {  	lr =	sadd.s32 s0, s3;
	s0 =	sld [smem:$0x3FAF]  }
0x30: {  	s3 =	sld [smem:$0x3FB2]  }
0x31: {  	[smem:$0x3FBB] =	sst s10  }
0x32: {  	s10 =	sld [smem:$0x3FB9];
	_ =	sdelay $0x3  }
0x33: {  	p0 =	seq.s32 s10, $0x1;
	s10 =	sld [smem:$0x3FBB];
	_ =	sdelay $0x3  }
0x34: {  	[smem:$0x3FBB] =	sst s10  }
0x35: {  	s10 =	sld [smem:$0x3FBA];
	_ =	sdelay $0x3  }
0x36: {  	p1 =	seq.s32 s10, $0x1;
	s10 =	sld [smem:$0x3FBB];
	_ =	sdelay $0x3  }
0x37: {  	[smem:$0x3FBB] =	sst s10  }
0x38: {  	s10 =	sld [smem:$0x3FBC]  }
0x39: {  	_ = 	snop;
	(pc) =	sbr.ind lr, $3  }
0x3a: {  	_ = 	snop  }
0x3b: {  	_ = 	snop  }
0x3c: {  	p2 =	seq.s32 s10, $0x1;
	s10 =	sld [smem:$0x3FBB]  }
0x3d: {  	_ =	shalt  }
0x3e: {  	_ =	shalt  }
0x3f: {  	_ =	shalt  }
0x40: {  	_ =	shalt  }
0x41: {  	_ =	shalt  }
0x42: {  	_ =	shalt  }
0x43: {  	_ =	shalt  }
0x44: {  	_ =	shalt  }
0x45: {  	_ =	shalt  }
0x46: {  	_ =	shalt  }
0x47: {  	_ =	shalt  }
0x48: {  	_ =	shalt  }
0x49: {  	_ =	shalt  }
0x4a: {  	_ =	shalt  }
0x4b: {  	_ =	shalt  }
0x4c: {  	_ =	shalt  }
0x4d: {  	_ =	shalt  }
0x4e: {  	_ =	shalt  }
0x4f: {  	_ =	shalt  }
0x50: {  	_ =	shalt  }
0x51: {  	_ =	shalt  }
0x52: {  	_ =	shalt  }
0x53: {  	_ =	shalt  }
0x54: {  	_ =	shalt  }
0x55: {  	_ =	shalt  }
0x56: {  	_ =	shalt  }
0x57: {  	_ =	shalt  }
0x58: {  	_ =	shalt  }
0x59: {  	_ =	shalt  }
0x5a: {  	_ =	shalt  }
0x5b: {  	_ =	shalt  }
0x5c: {  	_ =	shalt  }
0x5d: {  	_ =	shalt  }
0x5e: {  	_ =	shalt  }
0x5f: {  	_ =	shalt  }
0x60: {  	_ =	shalt  }
0x61: {  	_ =	shalt  }
0x62: {  	_ =	shalt  }
0x63: {  	_ =	shalt  }
0x64: {  	_ =	shalt  }
0x65: {  	_ =	shalt  }
0x66: {  	_ =	shalt  }
0x67: {  	_ =	shalt  }
0x68: {  	_ =	shalt  }
0x69: {  	_ =	shalt  }
0x6a: {  	_ =	shalt  }
0x6b: {  	_ =	shalt  }
0x6c: {  	_ =	shalt  }
0x6d: {  	_ =	shalt  }
0x6e: {  	_ =	shalt  }
0x6f: {  	_ =	shalt  }
0x70: {  	_ =	shalt  }
0x71: {  	_ =	shalt  }
0x72: {  	_ =	shalt  }
0x73: {  	_ =	shalt  }
0x74: {  	_ =	shalt  }
0x75: {  	_ =	shalt  }
0x76: {  	_ =	shalt  }
0x77: {  	_ =	shalt  }
0x78: {  	_ =	shalt  }
0x79: {  	_ =	shalt  }
0x7a: {  	_ =	shalt  }
0x7b: {  	_ =	shalt  }
0x7c: {  	_ =	shalt  }
0x7d: {  	_ =	shalt  }
0x7e: {  	_ =	shalt  }
0x7f: {  	_ =	shalt  }
0x80: {  	_ =	shalt  }
0x81: {  	_ =	shalt  }
0x82: {  	_ =	shalt  }
0x83: {  	_ =	shalt  }
0x84: {  	_ =	shalt  }
0x85: {  	_ =	shalt  }
0x86: {  	_ =	shalt  }
0x87: {  	_ =	shalt  }
.Lfunc_end0:
.L_simem_size_0:
called_computation_lowered:
.L_overlay_start_0:
0x88: {  	s2 =	sld [smem:$0x3FD9]  }
0x89: {  	s3 =	sld [smem:$0x3FFE];
	_ =	sdelay $0x1  }
0x8a: {  	s1 =	srdreg.scid  }
0x8b: {  	s0 =	sand.u32 $0x1, s1  }
0x8c: {  	s17 =	sshll.u32 s0, $0xA;
	s2 =	sadd.s32 s3, s2  }
0x8d: {  	s2 =	sadd.s32 s2, s17  }
0x8e: {  	[smem:$0x3FC7] =	sst s2  }
0x8f: {  	_ = 	snop  }
0x90: {  	s2 =	sld [smem:$0x3FC9]  }
0x91: {  	s18 =	sld [smem:$0x3FD0];
	(tm) =	ssettm $0x1  }
0x92: {  	s4 =	sld [smem:$0x3FFB];
	_ =	sdelay $0x3  }
0x93: {  	_ =	strace s4  }
0x94: {  	s4 =	sld [smem:$0x3FFC];
	_ =	sdelay $0x3  }
0x95: {  	_ =	strace s4  }
0x96: {  	s4 =	sld [smem:$0x3FFD];
	_ =	sdelay $0x3  }
0x97: {  	_ =	strace s4  }
0x98: {  	_ =	strace $0x8FFFFFFF  }
0x99: {  	s19 =	sld [smem:$0x3FDB];
	_ =	sdelay $0x1  }
0x9a: {  	s5 =	simm.s32 $_scs_section_size  }
0x9b: {  	s6 =	simm.s32 $_size__tile_overlayer_lowered;
	s7 =	simm.s32 $_tile_overlayer_lowered  }
0x9c: {  	s22 =	simm.s32 $0x1BFF;
	s21 =	sshll.u32 s7, $0x1;
	s4 =	sadd.s32 s5, s19  }
0x9d: {  	s8 =	simm.s32 $0x0;
	s20 =	sshll.u32 s6, $0x1;
	s6 =	sadd.s32 s21, s4  }
0x9e: {  	[timem:s8], [sflag:s22] =	dma.local [hbm:s6], s20  }
0x9f: {  	_ =	swait.ge [sflag:s22], s20  }
0xa0: {  	s5 =	ssub.s32 $0x0, s20;
	[sflag:s22] =	ssyncset.done $0x0  }
0xa1: {  	[sflag:s22] =	ssyncadd.s32 s5;
	_ =	sdelay $0x1  }
0xa2: {  	s23 =	simm.s32 $0x1B8B  }
0xa3: {  	_ =	swait.ge [sflag:s23], $0x1  }
0xa4: {  	[sflag:s23] =	ssyncset.done $0x0  }
0xa5: {  	s25 =	simm.s32 $0x1B8E;
	s24 =	sld [smem:$0x3FFE];
	[sflag:s23] =	ssyncadd.s32 $0xFFFFFFFF  }
0xa6: {  	s26 =	simm.s32 $execute0_lowered;
	[smem:$0x3FD2] =	sst s25  }
0xa7: {  	s6 =	sshll.u32 s26, $0x1;
	_ =	strace $0x80000046;
	[dreg:$0x1] =	wrdreg $0xFFFFFFFF  }
0xa8: {  	s28 =	simm.s32 $_size_execute0_lowered;
	s4 =	sadd.s32 s4, s6;
	[dreg:$0x0] =	wrdreg $0x0  }
0xa9: {  	s6 =	sshll.u32 s28, $0x1;
	[dreg:$0x2] =	wrdreg s4  }
0xaa: {  	[dreg:$0x3] =	wrdreg s6  }
0xab: {  	[dreg:$0x4] =	wrdreg $0xC0  }
0xac: {  	_ =	task [dreg:s8], $0x5FFFF  }
0xad: {  	[dreg:$0x1] =	wrdreg $0xFFFFFFFF  }
0xae: {  	[dreg:$0x0] =	wrdreg $0x60  }
0xaf: {  	[dreg:$0x2] =	wrdreg s2  }
0xb0: {  	[dreg:$0x3] =	wrdreg s18  }
0xb1: {  	[dreg:$0x4] =	wrdreg s24  }
0xb2: {  	[dreg:$0x5] =	wrdreg $0x9  }
0xb3: {  	_ =	task.clear_ibuf [dreg:s8], $0x6FFFF;
	_ =	strace $0x90000046  }
0xb4: {  	s29 =	simm.s32 $0x9;
	_ =	strace $0x80000048  }
0xb5: {  	_ =	swait.ge [sflag:s29], $0x1  }
0xb6: {  	[sflag:s29] =	ssyncadd.s32 $0xFFFFFFFF  }
0xb7: {  	_ =	strace $0x90000048  }
0xb8: {  	_ =	sfence  }
0xb9: {  	s30 =	sld [smem:$0x0];
	_ =	sdelay $0x2  }
0xba: {  	s31 =	sshll.u32 s1, $0xD;
	s1 =	sshrl.u32 s1, $0x2  }
0xbb: {  	s3 =	sand.u32 $0x4000, s31;
	s1 =	sadd.s32 s1, s30  }
0xbc: {  	s0 =	sor.u32 s3, s0;
	s1 =	sshll.u32 s1, $0x11  }
0xbd: {  	s0 =	sor.u32 s1, s0  }
0xbe: {  	s0 =	sadd.s32 $0x8F2B, s0  }
0xbf: {  	[sflag:s0] =	ssyncadd.remote.s32 $0x1  }
0xc0: {  	_ =	sfence.sel $0xFFFF  }
0xc1: {  	[dreg:$0x0] =	wrdreg $0xFFFFFFFF;
	(pc) =	sbr.abs _section_cstart, $3  }
0xc2: {  	[dreg:$0x1] =	wrdreg $0xFFFFFFFF  }
0xc3: {  	_ =	task.clear_ibuf [dreg:s8], $0x2FFFF;
	_ =	strace $0x9FFFFFFF  }
0xc4: {  	(tm) =	ssettm $0x7FFFFFFF  }
0xc5: {  	_ =	shalt  }
tec
execute0_lowered:
.L_overlay_start_1:
0x0: {  	(tag) =	ssettag $0x1  }
0x1: {  	s1 =	srdreg.scid;
	s0 =	stileid.u32  }
0x2: {  	s3 =	sand.u32 $0x1, s1;
	s30 =	sshll.u32 s0, $0x1  }
0x3: {  	s7 =	rddreg [dreg:$0x0];
	s10 =	sor.u32 s3, s30  }
0x4: {  	s6 =	rddreg [dreg:$0x1];
	s1 =	smul.u32 $0x18, s10  }
0x5: {  	s8 =	rddreg [dreg:$0x2]  }
0x6: {  	s2 =	simm.s32 $0x0;
	s13 =	simm.s32 $0x880;
	s4 =	sshrl.u32 s1, $0x8  }
0x7: {  	s14 =	simm.s32 $0x1;
	s3 =	ssub.s32 $0x2, s3;
	s1 =	smul.u32 $0xB, s4  }
0x8: {  	[smem:$0x7FF] =	sst s2;
	s12 =	sshrl.u32 s3, $0x1;
	s9 =	smul.u32 $0xB000, s4  }
0x9: {  	p0 =	sne.s32 s10, $0x0;
	s12 =	ssub.s32 s3, s12;
	s31 =	smul.u32 $0x8800, s4  }
0xa: {  	s4 =	sshll.u32 s4, $0x4;
	s1 =	ssub.s32 s10, s1;
	s10 =	simm.s32 $0x2  }
0xb: {  	s5 =	sand.u32 $0xFF, s1;
	s1 =	rddreg [dreg:$0x3];
	_ =	strace $0x80000047  }
0xc: {  	s11 =	sshll.u32 s5, $0xC;
	s5 =	sadd.s32 s5, s6;
	s6 =	sadd.s32 $0x2A, s6  }
0xd: {  	s9 =	sadd.s32 s11, s9;
	s3 =	sadd.s32 s4, s5;
	s4 =	sadd.s32 s7, s31  }
0xe: {  	v1 =	vlaneseq.u32;
	s7 =	sadd.s32 $0x11000, s7;
	s11 =	simm.s32 $0x80;
	s9 =	sshrl.u32 s9, $0x3  }
0xf: {  	v0 =	vand.u32 $0x7, v1;
	v1 =	vshrl.u32 v1, $0x3;
	s15 =	sadd.s32 @!p0 $0x100, s7;
	s9 =	sadd.s32 s9, s8;
	s8 =	sadd.s32 $0x4E00, s8  }
0x10: {  	vm0 =	vmmov $0xffff;
	v1 =	vmul.u32 $0x8, v1;
	vm1 =	vmmov @!p0 $0xffff;
	s5 =	sadd.s32 $0xE00, s9;
	s9 =	smax.u32 s12, $0x1;
	s12 =	sadd.s32 $0x100, s4  }
.LBB2_1:
0x11: {  	[tilespmem:s2], [sflag:$0x2] =	stream.linear.gather [hbm4b:s3+s2], $0x8, $0x38;
	[tilespmem:$0x1080] =	vst v63  }
0x12: {  	_ =	swait.ge [sflag:s10], $0x8  }
0x13: {  	[sflag:s10] =	ssyncset.done $0x0  }
0x14: {  	[sflag:s10] =	ssyncadd.s32 $0xFFFFFFF8  }
0x15: {  	v2 =	vld.msk [tilespmem:$0x0], $0xff;
	_ =	sdelay $0x4  }
0x16: {  	v3 =	vshll.u32 v2, $0x2  }
0x17: {  	v2 =	vand.u32 $0x7, v2;
	v3 =	vand.u32 $0xFFFFFFE0, v3  }
0x18: {  	v2 =	vor.u32 v2, v3  }
0x19: {  	v2 =	vperm.xlane v2, v0;
	_ =	sdelay $0x1  }
0x1a: {  	v2 =	vadd.s32 v1, v2;
	_ =	sdelay $0x4  }
0x1b: {  	[tilespmem:s11], [sflag:$0x1] =	stream.indirect_vreg.gather [hbm4b:s4+s2], $0x80, v2, vm0, $0xb8;
	[tilespmem:$0x1080] =	vst v63  }
0x1c: {  	_ = 	snop  }
0x1d: {  	[tilespmem:s13], [sflag:$0x1] =	stream.indirect_vreg.gather [hbm4b:s12+s2], $0x80, v2, vm0, $0xb8;
	[tilespmem:$0x1080] =	vst v63  }
0x1e: {  	_ =	swait.ge [sflag:s14], $0x1000  }
0x1f: {  	[sflag:s14] =	ssyncset.done $0x0  }
0x20: {  	[sflag:s14] =	ssyncadd.s32 $0xFFFFF000  }
0x21: {  	[hbm4b:s5+s2] =	stream.linear.scatter [tilespmem:s11], [sflag:$0x2], $0x1000, $0x38;
	[tilespmem:$0x1080] =	vst v63  }
0x22: {  	_ =	swait.ge [sflag:s10], $0x1000  }
0x23: {  	[sflag:s10] =	ssyncset.done $0x0  }
0x24: {  	s16 =	simm.s32 @!p0 $0x0;
	s17 =	simm.s32 @!p0 $0x2;
	[sflag:s10] =	ssyncadd.s32 $0xFFFFF000  }
0x25: {  	[tilespmem:s16], [sflag:$0x2] =	stream.linear.gather @!p0 [hbm4b:s6+s16], $0x10, $0x38;
	[tilespmem:$0x1080] =	vst v63  }
0x26: {  	_ =	swait.ge @!p0 [sflag:s17], $0x10  }
0x27: {  	[sflag:s17] =	ssyncset.done @!p0 $0x0  }
0x28: {  	[sflag:s17] =	ssyncadd.s32 @!p0 $0xFFFFFFF0  }
0x29: {  	v2 =	vld.msk @!p0 [tilespmem:$0x0], $0xff;
	_ =	sdelay $0x4  }
0x2a: {  	v3 =	vshll.u32 @!p0 v2, $0x2  }
0x2b: {  	v4 =	vlaneseq.u32 @!p0;
	v2 =	vand.u32 @!p0 $0x7, v2;
	v3 =	vand.u32 @!p0 $0xFFFFFFE0, v3  }
0x2c: {  	v2 =	vor.u32 @!p0 v2, v3;
	v3 =	vand.u32 @!p0 $0x7, v4;
	v4 =	vshrl.u32 @!p0 v4, $0x3  }
0x2d: {  	v2 =	vperm.xlane @!p0 v2, v3;
	v3 =	vmul.u32 @!p0 $0x8, v4;
	_ =	sdelay $0x1  }
0x2e: {  	v2 =	vadd.s32 @!p0 v3, v2;
	_ =	sdelay $0x3  }
0x2f: {  	s18 =	simm.s32 @!p0 $0x80  }
0x30: {  	[tilespmem:s18], [sflag:$0x1] =	stream.indirect_vreg.gather @!p0 [hbm4b:s7+s16], $0x80, v2, vm1, $0xb8;
	[tilespmem:$0x1080] =	vst v63  }
0x31: {  	s19 =	simm.s32 @!p0 $0x880  }
0x32: {  	[tilespmem:s19], [sflag:$0x1] =	stream.indirect_vreg.gather @!p0 [hbm4b:s15+s16], $0x80, v2, vm1, $0xb8;
	[tilespmem:$0x1080] =	vst v63  }
0x33: {  	s19 =	simm.s32 @!p0 $0x1  }
0x34: {  	s9 =	sadd.s32 $0xFFFFFFFF, s9;
	_ =	swait.ge @!p0 [sflag:s19], $0x1000  }
0x35: {  	p1 =	sne.s32 s9, $0x0;
	[sflag:s19] =	ssyncset.done @!p0 $0x0  }
.Ltmp0:
0x36: {  	[sflag:s19] =	ssyncadd.s32 @!p0 $0xFFFFF000;
	(pc) =	sbr.rel @p1 .LBB2_1-.Ltmp0, $4  }
0x37: {  	[hbm4b:s8+s16] =	stream.linear.scatter @!p0 [tilespmem:s18], [sflag:$0x2], $0x1000, $0x38;
	[tilespmem:$0x1080] =	vst v63  }
0x38: {  	_ =	swait.ge @!p0 [sflag:s17], $0x1000  }
0x39: {  	[sflag:s17] =	ssyncset.done @!p0 $0x0  }
0x3a: {  	[sflag:s17] =	ssyncadd.s32 @!p0 $0xFFFFF000  }
0x3b: {  	_ =	sfence.sel $0x180000  }
0x3c: {  	[bflag:$0x0] =	sbarrier.arrive $0xFFFF  }
0x3d: {  	p0 =	sne.s32 s0, $0x0;
	_ =	strace $0x90000047  }
0x3e: {  	s0 =	sadd.s32 @!p0 $0x100000, s1;
	[bflag:$0x2] =	sbarrier.arrive $0xFFFF  }
0x3f: {  	[sflag:s0] =	ssyncadd.tile.s32 @!p0 $0x1;
	_ =	shalt  }
.Lfunc_end2:
_tile_overlayer_lowered:
.L_overlay_start_2:
0x40: {  	(tag) =	ssettag $0x2  }
0x41: {  	s0 =	rddreg [dreg:$0x0];
	s2 =	stileid.u32  }
0x42: {  	s1 =	rddreg [dreg:$0x1];
	p0 =	sne.s32 s2, $0x0  }
0x43: {  	s3 =	rddreg [dreg:$0x2];
	[bflag:$0x3] =	sbarrier.arrive $0xFFFF;
	s2 =	simm.s32 @!p0 $0x1C02  }
0x44: {  	[timem:s3], [sflag:s2] =	dma.local @!p0 [hbm:s0], s1  }
0x45: {  	s0 =	simm.s32 @!p0 $0x2  }
0x46: {  	_ =	swait.ge @!p0 [sflag:s0], s1  }
0x47: {  	s1 =	ssub.s32 @!p0 $0x0, s1;
	[sflag:s0] =	ssyncset.done @!p0 $0x0  }
0x48: {  	[sflag:s0] =	ssyncadd.s32 @!p0 s1  }
0x49: {  	[bflag:$0x3] =	sbarrier.arrive $0xFFFF  }
0x4a: {  	_ =	shalt  }

</sc_bundles>
